<compile_context>
chip_gen: v7x
topology: tpu7x:2x2x1
jax: 0.10.2.dev20260603
libtpu: 0.0.44.dev20260713+nightly
codegen_flags: <defaults>
</compile_context>

<pallas_src>
import functools

import jax
import jax.numpy as jnp
from jax import lax
from jax.experimental import pallas as pl
from jax.experimental.pallas import tpu as pltpu
from jax.experimental.pallas import tpu_sc as plsc

_VOCAB = 1000000
_DIM = 64
_BATCH = 4096
_SEQ = 200
_ALPHA = 0.1
_PD = 128
_G1 = 128
_G2 = _SEQ - _G1

_info = plsc.get_sparse_core_info()
_NC, _NS, _L = _info.num_cores, _info.num_subcores, _info.num_lanes
_NW = _NC * _NS
_BPW = _BATCH // _NW
_VPR = _DIM // _L


def _sc_body(ids_hbm, tab_hbm, out_hbm, idx_v, gb0, gb1, ob0, ob1,
             sem_g0, sem_g1, sem_o0, sem_o1):
    wid = lax.axis_index("s") * _NC + lax.axis_index("c")
    b0 = wid * _BPW

    gbufs = (gb0, gb1)
    obufs = (ob0, ob1)
    sem_gs = (sem_g0, sem_g1)
    sem_os = (sem_o0, sem_o1)

    pltpu.sync_copy(ids_hbm.at[pl.ds(b0 * _SEQ, _BPW * _SEQ)], idx_v)

    def gather(bi, k):
        pltpu.make_async_copy(
            tab_hbm.at[idx_v.at[pl.ds(bi * _SEQ, _G1)]],
            gbufs[k].at[pl.ds(0, _G1)], sem_gs[k]
        ).start()
        pltpu.make_async_copy(
            tab_hbm.at[idx_v.at[pl.ds(bi * _SEQ + _G1, _G2)]],
            gbufs[k].at[pl.ds(_G1, _G2)], sem_gs[k]
        ).start()

    def wait_gather(bi, k):
        pltpu.make_async_copy(
            tab_hbm.at[idx_v.at[pl.ds(bi * _SEQ, _G1)]],
            gbufs[k].at[pl.ds(0, _G1)], sem_gs[k]
        ).wait()
        pltpu.make_async_copy(
            tab_hbm.at[idx_v.at[pl.ds(bi * _SEQ + _G1, _G2)]],
            gbufs[k].at[pl.ds(_G1, _G2)], sem_gs[k]
        ).wait()

    def store(bi, k):
        pltpu.make_async_copy(
            obufs[k], out_hbm.at[b0 + bi], sem_os[k]
        ).start()

    def wait_store(bi, k):
        pltpu.make_async_copy(
            obufs[k], out_hbm.at[b0 + bi], sem_os[k]
        ).wait()

    def compute(k):
        gb, ob = gbufs[k], obufs[k]
        carry = []
        for q in range(_VPR):
            c = gb[0, pl.ds(q * _L, _L)]
            ob[0, pl.ds(q * _L, _L)] = c
            carry.append(c)

        def row(s, prev):
            cur = tuple(gb[s, pl.ds(q * _L, _L)] for q in range(_VPR))
            for q in range(_VPR):
                ob[s, pl.ds(q * _L, _L)] = (
                    cur[q] * (1.0 + _ALPHA) - prev[q] * _ALPHA)
            return cur

        lax.fori_loop(1, _SEQ, row, tuple(carry))

    gather(0, 0)

    def step(i, _):
        for u in range(2):
            bi = i * 2 + u

            @pl.when(bi + 1 < _BPW)
            def _():
                gather(bi + 1, 1 - u)

            wait_gather(bi, u)

            @pl.when(bi >= 2)
            def _():
                wait_store(bi - 2, u)

            compute(u)
            store(bi, u)
        return 0

    lax.fori_loop(0, _BPW // 2, step, 0)

    wait_store(_BPW - 2, 0)
    wait_store(_BPW - 1, 1)


@jax.jit
def _gather_enhance(ids, tab_pad):
    mesh = plsc.VectorSubcoreMesh(core_axis_name="c", subcore_axis_name="s")
    run = functools.partial(
        pl.kernel,
        mesh=mesh,
        compiler_params=pltpu.CompilerParams(
            use_tc_tiling_on_sc=True, needs_layout_passes=False),
        out_type=jax.ShapeDtypeStruct((_BATCH, _SEQ, _DIM), jnp.float32),
        scratch_types=[
            pltpu.VMEM((_BPW * _SEQ,), jnp.int32),
            pltpu.VMEM((_SEQ, _PD), jnp.float32),
            pltpu.VMEM((_SEQ, _PD), jnp.float32),
            pltpu.VMEM((_SEQ, _DIM), jnp.float32),
            pltpu.VMEM((_SEQ, _DIM), jnp.float32),
            pltpu.SemaphoreType.DMA,
            pltpu.SemaphoreType.DMA,
            pltpu.SemaphoreType.DMA,
            pltpu.SemaphoreType.DMA,
        ],
    )(_sc_body)
    return run(ids, tab_pad)


def kernel(input_ids, table):
    tab_pad = jnp.pad(table, ((0, 0), (0, _PD - _DIM)))
    return _gather_enhance(input_ids.reshape(_BATCH * _SEQ), tab_pad)

# --- scband reference (transcript-rebuilt; emitter-appended) ---
"""Pipeline reference for scband-reflective-model-63574105915813 (READ-ONLY COPY).

The authoritative reference and input builder live on the scoring server;
editing this copy changes nothing except your own understanding.
"""

import jax, jax.numpy as jnp
import numpy as np

VOCAB = 1000000
DIM = 64
BATCH = 4096
SEQ = 200
ALPHA = 0.1

def setup_inputs(seed: int = 0) -> dict:
    key = jax.random.key(seed)
    k1, k2 = jax.random.split(key)
    input_ids = jax.random.randint(k1, (BATCH, SEQ), 0, VOCAB, dtype=jnp.int32)
    # learned parameter: embedding table of the base_model
    table = jax.random.normal(k2, (VOCAB, DIM), dtype=jnp.float32) * 0.02
    return {"input_ids": input_ids, "table": table}

def reference(input_ids, table):
    # base_model.get_input_embeddings()(input_ids) -> gather
    embeddings = jnp.take(table, input_ids, axis=0)  # [B, S, D]
    # analyzer.analyze_diffs: first-order differences along the sequence axis
    diffs = embeddings[:, 1:, :] - embeddings[:, :-1, :]
    insights = jnp.concatenate([jnp.zeros_like(embeddings[:, :1, :]), diffs], axis=1)
    # analyzer.enhance_embeddings: residual injection of insights
    enhanced_embeddings = embeddings + ALPHA * insights
    return enhanced_embeddings

if __name__ == "__main__":
    import jax
    _d = setup_inputs()
    print(jax.jit(kernel)(*tuple(_d.values())))

</pallas_src>

<mosaic_0001>
#map = affine_map<(d0, d1) -> (0)>
#map1 = affine_map<(d0, d1) -> (0, 0)>
#map2 = affine_map<(d0, d1) -> (0, 0, 0)>
module attributes {stable_mosaic.version = 14 : i64} {
  func.func @_sc_body(%arg0: i32, %arg1: i32, %arg2: memref<819200xi32, #tpu.memory_space<hbm>>, %arg3: memref<1000000x128xf32, #tpu.memory_space<hbm>>, %arg4: memref<4096x200x64xf32, #tpu.memory_space<hbm>>, %arg5: memref<25600xi32, #tpu.memory_space<vmem>>, %arg6: memref<200x128xf32, #tpu.memory_space<vmem>>, %arg7: memref<200x128xf32, #tpu.memory_space<vmem>>, %arg8: memref<200x64xf32, #tpu.memory_space<vmem>>, %arg9: memref<200x64xf32, #tpu.memory_space<vmem>>, %arg10: memref<!tpu.dma_semaphore, #tpu.memory_space<semaphore_mem>>, %arg11: memref<!tpu.dma_semaphore, #tpu.memory_space<semaphore_mem>>, %arg12: memref<!tpu.dma_semaphore, #tpu.memory_space<semaphore_mem>>, %arg13: memref<!tpu.dma_semaphore, #tpu.memory_space<semaphore_mem>>) attributes {dimension_semantics = [#tpu.dimension_semantics<core_parallel>, #tpu.dimension_semantics<subcore_parallel>], iteration_bounds = array<i64: 2, 16>, scalar_prefetch = 0 : i64, scratch_operands = 9 : i64, tpu.core_type = #tpu.core_type<sc_vector_subcore>, window_params = [{transform_indices = #map}, {transform_indices = #map1}, {transform_indices = #map2}]} {
    %mul3A = arith.constant 2 : i32
    %mul3A_0 = arith.muli %arg1, %mul3A : i32
    %add3A = arith.addi %mul3A_0, %arg0 : i32
    %mul3A_1 = arith.constant 128 : i32
    %mul3A_2 = arith.muli %add3A, %mul3A_1 : i32
    %mul3A_3 = arith.constant 200 : i32
    %mul3A_4 = arith.muli %mul3A_2, %mul3A_3 : i32
    "tpu.region"() ({
      %run_scoped3A = tpu.sem_alloc : memref<!tpu.dma_semaphore, #tpu.memory_space<semaphore_mem>>
      %dma_start3A_45 = tpu.memref_slice %arg2[%mul3A_4] : memref<819200xi32, #tpu.memory_space<hbm>> -> memref<25600xi32, #tpu.memory_space<hbm>>
      %dma_start3A_46 = tpu.memref_slice %arg2[%mul3A_4] : memref<819200xi32, #tpu.memory_space<hbm>> -> memref<25600xi32, #tpu.memory_space<hbm>>
      tpu.enqueue_dma source(%dma_start3A_46 : memref<25600xi32, #tpu.memory_space<hbm>>) target(%arg5 : memref<25600xi32, #tpu.memory_space<vmem>>) target_semaphore(%run_scoped3A : memref<!tpu.dma_semaphore, #tpu.memory_space<semaphore_mem>>)
      %dma_wait3A_47 = tpu.memref_slice %arg2[%mul3A_4] : memref<819200xi32, #tpu.memory_space<hbm>> -> memref<25600xi32, #tpu.memory_space<hbm>>
      %dma_wait3A_48 = tpu.memref_slice %arg2[%mul3A_4] : memref<819200xi32, #tpu.memory_space<hbm>> -> memref<25600xi32, #tpu.memory_space<hbm>>
      tpu.wait_dma2 semaphore(%run_scoped3A : memref<!tpu.dma_semaphore, #tpu.memory_space<semaphore_mem>>) src(%dma_wait3A_48 : memref<25600xi32, #tpu.memory_space<hbm>>) dst(%arg5 : memref<25600xi32, #tpu.memory_space<vmem>>)
      tpu.yield
    }) : () -> ()
    %dma_start3A = arith.constant 0 : i32
    %dma_start3A_5 = arith.constant 0 : i32
    %dma_start3A_6 = tpu.memref_slice %arg6[%dma_start3A, %dma_start3A_5] : memref<200x128xf32, #tpu.memory_space<vmem>> -> memref<128x128xf32, #tpu.memory_space<vmem>>
    %dma_start3A_7 = arith.constant 0 : i32
    %dma_start3A_8 = tpu.memref_slice %arg5[%dma_start3A_7] : memref<25600xi32, #tpu.memory_space<vmem>> -> memref<128xi32, #tpu.memory_space<vmem>>
    %dma_start3A_9 = arith.constant 0 : i32
    %dma_start3A_10 = arith.constant 0 : i32
    %dma_start3A_11 = tpu.memref_slice %arg3[%dma_start3A_9, %dma_start3A_10] : memref<1000000x128xf32, #tpu.memory_space<hbm>> -> memref<1000000x128xf32, #tpu.memory_space<hbm>>
    tpu.enqueue_indirect_dma source(%dma_start3A_11 : memref<1000000x128xf32, #tpu.memory_space<hbm>>) target(%dma_start3A_6 : memref<128x128xf32, #tpu.memory_space<vmem>>) offsets(%dma_start3A_8 : memref<128xi32, #tpu.memory_space<vmem>>) semaphore(%arg10 : memref<!tpu.dma_semaphore, #tpu.memory_space<semaphore_mem>>)
    %dma_start3A_12 = arith.constant 128 : i32
    %dma_start3A_13 = arith.constant 0 : i32
    %dma_start3A_14 = tpu.memref_slice %arg6[%dma_start3A_12, %dma_start3A_13] : memref<200x128xf32, #tpu.memory_space<vmem>> -> memref<72x128xf32, #tpu.memory_space<vmem>>
    %dma_start3A_15 = arith.constant 128 : i32
    %dma_start3A_16 = tpu.memref_slice %arg5[%dma_start3A_15] : memref<25600xi32, #tpu.memory_space<vmem>> -> memref<72xi32, #tpu.memory_space<vmem>>
    %dma_start3A_17 = arith.constant 0 : i32
    %dma_start3A_18 = arith.constant 0 : i32
    %dma_start3A_19 = tpu.memref_slice %arg3[%dma_start3A_17, %dma_start3A_18] : memref<1000000x128xf32, #tpu.memory_space<hbm>> -> memref<1000000x128xf32, #tpu.memory_space<hbm>>
    tpu.enqueue_indirect_dma source(%dma_start3A_19 : memref<1000000x128xf32, #tpu.memory_space<hbm>>) target(%dma_start3A_14 : memref<72x128xf32, #tpu.memory_space<vmem>>) offsets(%dma_start3A_16 : memref<72xi32, #tpu.memory_space<vmem>>) semaphore(%arg10 : memref<!tpu.dma_semaphore, #tpu.memory_space<semaphore_mem>>)
    %scan3A = arith.constant 0 : i32
    %scan3A_20 = arith.constant 0 : i32
    %scan3A_21 = arith.constant 64 : i32
    %scan3A_22 = arith.addi %scan3A_20, %scan3A_21 : i32
    %scan3A_23 = arith.constant 1 : i32
    %scan3A_24 = scf.for %scan3A_45 = %scan3A_20 to %scan3A_22 step %scan3A_23 iter_args(%scan3A_46 = %scan3A) -> (i32)  : i32 {
      %mul3A_47 = arith.constant 2 : i32
      %mul3A_48 = arith.muli %scan3A_45, %mul3A_47 : i32
      %add3A_49 = arith.constant 0 : i32
      %add3A_50 = arith.addi %mul3A_48, %add3A_49 : i32
      %add3A_51 = arith.constant 1 : i32
      %add3A_52 = arith.addi %add3A_50, %add3A_51 : i32
      %lt3A = arith.constant 128 : i32
      %lt3A_53 = arith.cmpi slt, %add3A_52, %lt3A : i32
      %convert_element_type3A = arith.extui %lt3A_53 : i1 to i32
      %cond3A = arith.constant 0 : i32
      %cond3A_54 = arith.cmpi ne, %convert_element_type3A, %cond3A : i32
      scf.if %cond3A_54 {
        %add3A_208 = arith.constant 1 : i32
        %add3A_209 = arith.addi %add3A_50, %add3A_208 : i32
        %mul3A_210 = arith.constant 200 : i32
        %mul3A_211 = arith.muli %add3A_209, %mul3A_210 : i32
        %dma_start3A_212 = arith.constant 0 : i32
        %dma_start3A_213 = arith.constant 0 : i32
        %dma_start3A_214 = tpu.memref_slice %arg7[%dma_start3A_212, %dma_start3A_213] : memref<200x128xf32, #tpu.memory_space<vmem>> -> memref<128x128xf32, #tpu.memory_space<vmem>>
        %dma_start3A_215 = tpu.memref_slice %arg5[%mul3A_211] : memref<25600xi32, #tpu.memory_space<vmem>> -> memref<128xi32, #tpu.memory_space<vmem>>
        %dma_start3A_216 = arith.constant 0 : i32
        %dma_start3A_217 = arith.constant 0 : i32
        %dma_start3A_218 = tpu.memref_slice %arg3[%dma_start3A_216, %dma_start3A_217] : memref<1000000x128xf32, #tpu.memory_space<hbm>> -> memref<1000000x128xf32, #tpu.memory_space<hbm>>
        tpu.enqueue_indirect_dma source(%dma_start3A_218 : memref<1000000x128xf32, #tpu.memory_space<hbm>>) target(%dma_start3A_214 : memref<128x128xf32, #tpu.memory_space<vmem>>) offsets(%dma_start3A_215 : memref<128xi32, #tpu.memory_space<vmem>>) semaphore(%arg11 : memref<!tpu.dma_semaphore, #tpu.memory_space<semaphore_mem>>)
        %mul3A_219 = arith.constant 200 : i32
        %mul3A_220 = arith.muli %add3A_209, %mul3A_219 : i32
        %add3A_221 = arith.constant 128 : i32
        %add3A_222 = arith.addi %mul3A_220, %add3A_221 : i32
        %dma_start3A_223 = arith.constant 128 : i32
        %dma_start3A_224 = arith.constant 0 : i32
        %dma_start3A_225 = tpu.memref_slice %arg7[%dma_start3A_223, %dma_start3A_224] : memref<200x128xf32, #tpu.memory_space<vmem>> -> memref<72x128xf32, #tpu.memory_space<vmem>>
        %dma_start3A_226 = tpu.memref_slice %arg5[%add3A_222] : memref<25600xi32, #tpu.memory_space<vmem>> -> memref<72xi32, #tpu.memory_space<vmem>>
        %dma_start3A_227 = arith.constant 0 : i32
        %dma_start3A_228 = arith.constant 0 : i32
        %dma_start3A_229 = tpu.memref_slice %arg3[%dma_start3A_227, %dma_start3A_228] : memref<1000000x128xf32, #tpu.memory_space<hbm>> -> memref<1000000x128xf32, #tpu.memory_space<hbm>>
        tpu.enqueue_indirect_dma source(%dma_start3A_229 : memref<1000000x128xf32, #tpu.memory_space<hbm>>) target(%dma_start3A_225 : memref<72x128xf32, #tpu.memory_space<vmem>>) offsets(%dma_start3A_226 : memref<72xi32, #tpu.memory_space<vmem>>) semaphore(%arg11 : memref<!tpu.dma_semaphore, #tpu.memory_space<semaphore_mem>>)
      } else {
      }
      %mul3A_55 = arith.constant 200 : i32
      %mul3A_56 = arith.muli %add3A_50, %mul3A_55 : i32
      %dma_wait3A_57 = arith.constant 0 : i32
      %dma_wait3A_58 = arith.constant 0 : i32
      %dma_wait3A_59 = tpu.memref_slice %arg6[%dma_wait3A_57, %dma_wait3A_58] : memref<200x128xf32, #tpu.memory_space<vmem>> -> memref<128x128xf32, #tpu.memory_space<vmem>>
      %dma_wait3A_60 = tpu.memref_slice %arg5[%mul3A_56] : memref<25600xi32, #tpu.memory_space<vmem>> -> memref<128xi32, #tpu.memory_space<vmem>>
      %dma_wait3A_61 = arith.constant 0 : i32
      %dma_wait3A_62 = arith.constant 0 : i32
      %dma_wait3A_63 = tpu.memref_slice %arg3[%dma_wait3A_61, %dma_wait3A_62] : memref<1000000x128xf32, #tpu.memory_space<hbm>> -> memref<1000000x128xf32, #tpu.memory_space<hbm>>
      tpu.wait_indirect_dma semaphore(%arg10 : memref<!tpu.dma_semaphore, #tpu.memory_space<semaphore_mem>>) src(%dma_wait3A_63 : memref<1000000x128xf32, #tpu.memory_space<hbm>>) dst(%dma_wait3A_59 : memref<128x128xf32, #tpu.memory_space<vmem>>)
      %mul3A_64 = arith.constant 200 : i32
      %mul3A_65 = arith.muli %add3A_50, %mul3A_64 : i32
      %add3A_66 = arith.constant 128 : i32
      %add3A_67 = arith.addi %mul3A_65, %add3A_66 : i32
      %dma_wait3A_68 = arith.constant 128 : i32
      %dma_wait3A_69 = arith.constant 0 : i32
      %dma_wait3A_70 = tpu.memref_slice %arg6[%dma_wait3A_68, %dma_wait3A_69] : memref<200x128xf32, #tpu.memory_space<vmem>> -> memref<72x128xf32, #tpu.memory_space<vmem>>
      %dma_wait3A_71 = tpu.memref_slice %arg5[%add3A_67] : memref<25600xi32, #tpu.memory_space<vmem>> -> memref<72xi32, #tpu.memory_space<vmem>>
      %dma_wait3A_72 = arith.constant 0 : i32
      %dma_wait3A_73 = arith.constant 0 : i32
      %dma_wait3A_74 = tpu.memref_slice %arg3[%dma_wait3A_72, %dma_wait3A_73] : memref<1000000x128xf32, #tpu.memory_space<hbm>> -> memref<1000000x128xf32, #tpu.memory_space<hbm>>
      tpu.wait_indirect_dma semaphore(%arg10 : memref<!tpu.dma_semaphore, #tpu.memory_space<semaphore_mem>>) src(%dma_wait3A_74 : memref<1000000x128xf32, #tpu.memory_space<hbm>>) dst(%dma_wait3A_70 : memref<72x128xf32, #tpu.memory_space<vmem>>)
      %ge3A = arith.constant 2 : i32
      %ge3A_75 = arith.cmpi sge, %add3A_50, %ge3A : i32
      %convert_element_type3A_76 = arith.extui %ge3A_75 : i1 to i32
      %cond3A_77 = arith.constant 0 : i32
      %cond3A_78 = arith.cmpi ne, %convert_element_type3A_76, %cond3A_77 : i32
      scf.if %cond3A_78 {
        %sub3A = arith.constant 2 : i32
        %sub3A_208 = arith.subi %add3A_50, %sub3A : i32
        %add3A_209 = arith.addi %mul3A_2, %sub3A_208 : i32
        %dma_wait3A_210 = arith.constant 0 : i32
        %dma_wait3A_211 = arith.constant 0 : i32
        %dma_wait3A_212 = tpu.memref_slice %arg4[%add3A_209, %dma_wait3A_210, %dma_wait3A_211] : memref<4096x200x64xf32, #tpu.memory_space<hbm>> -> memref<1x200x64xf32, #tpu.memory_space<hbm>>
        %dma_wait3A_213 = tpu.memref_squeeze %dma_wait3A_212 : memref<1x200x64xf32, #tpu.memory_space<hbm>> -> memref<200x64xf32, #tpu.memory_space<hbm>>
        %dma_wait3A_214 = arith.constant 0 : i32
        %dma_wait3A_215 = arith.constant 0 : i32
        %dma_wait3A_216 = tpu.memref_slice %arg4[%add3A_209, %dma_wait3A_214, %dma_wait3A_215] : memref<4096x200x64xf32, #tpu.memory_space<hbm>> -> memref<1x200x64xf32, #tpu.memory_space<hbm>>
        %dma_wait3A_217 = tpu.memref_squeeze %dma_wait3A_216 : memref<1x200x64xf32, #tpu.memory_space<hbm>> -> memref<200x64xf32, #tpu.memory_space<hbm>>
        tpu.wait_dma2 semaphore(%arg12 : memref<!tpu.dma_semaphore, #tpu.memory_space<semaphore_mem>>) src(%arg8 : memref<200x64xf32, #tpu.memory_space<vmem>>) dst(%dma_wait3A_217 : memref<200x64xf32, #tpu.memory_space<hbm>>)
      } else {
      }
      %get3A = arith.constant 0 : i32
      %get3A_79 = arith.index_cast %get3A : i32 to index
      %get3A_80 = arith.constant 0 : index
      %get3A_81 = tpu.vector_load %arg6[%get3A_79, %get3A_80] {strides = array<i32>} : memref<200x128xf32, #tpu.memory_space<vmem>>, vector<16xf32>,
      %swap3A = arith.constant 0 : i32
      %swap3A_82 = arith.index_cast %swap3A : i32 to index
      %swap3A_83 = arith.constant 0 : index
      %swap3A_84 = tpu.vector_load %arg8[%swap3A_82, %swap3A_83] {strides = array<i32>} : memref<200x64xf32, #tpu.memory_space<vmem>>, vector<16xf32>,
      tpu.vector_store %arg8[%swap3A_82, %swap3A_83], %get3A_81 {strides = array<i32>} : memref<200x64xf32, #tpu.memory_space<vmem>>, vector<16xf32>,
      %get3A_85 = arith.constant 0 : i32
      %get3A_86 = arith.index_cast %get3A_85 : i32 to index
      %get3A_87 = arith.constant 16 : index
      %get3A_88 = tpu.vector_load %arg6[%get3A_86, %get3A_87] {strides = array<i32>} : memref<200x128xf32, #tpu.memory_space<vmem>>, vector<16xf32>,
      %swap3A_89 = arith.constant 0 : i32
      %swap3A_90 = arith.index_cast %swap3A_89 : i32 to index
      %swap3A_91 = arith.constant 16 : index
      %swap3A_92 = tpu.vector_load %arg8[%swap3A_90, %swap3A_91] {strides = array<i32>} : memref<200x64xf32, #tpu.memory_space<vmem>>, vector<16xf32>,
      tpu.vector_store %arg8[%swap3A_90, %swap3A_91], %get3A_88 {strides = array<i32>} : memref<200x64xf32, #tpu.memory_space<vmem>>, vector<16xf32>,
      %get3A_93 = arith.constant 0 : i32
      %get3A_94 = arith.index_cast %get3A_93 : i32 to index
      %get3A_95 = arith.constant 32 : index
      %get3A_96 = tpu.vector_load %arg6[%get3A_94, %get3A_95] {strides = array<i32>} : memref<200x128xf32, #tpu.memory_space<vmem>>, vector<16xf32>,
      %swap3A_97 = arith.constant 0 : i32
      %swap3A_98 = arith.index_cast %swap3A_97 : i32 to index
      %swap3A_99 = arith.constant 32 : index
      %swap3A_100 = tpu.vector_load %arg8[%swap3A_98, %swap3A_99] {strides = array<i32>} : memref<200x64xf32, #tpu.memory_space<vmem>>, vector<16xf32>,
      tpu.vector_store %arg8[%swap3A_98, %swap3A_99], %get3A_96 {strides = array<i32>} : memref<200x64xf32, #tpu.memory_space<vmem>>, vector<16xf32>,
      %get3A_101 = arith.constant 0 : i32
      %get3A_102 = arith.index_cast %get3A_101 : i32 to index
      %get3A_103 = arith.constant 48 : index
      %get3A_104 = tpu.vector_load %arg6[%get3A_102, %get3A_103] {strides = array<i32>} : memref<200x128xf32, #tpu.memory_space<vmem>>, vector<16xf32>,
      %swap3A_105 = arith.constant 0 : i32
      %swap3A_106 = arith.index_cast %swap3A_105 : i32 to index
      %swap3A_107 = arith.constant 48 : index
      %swap3A_108 = tpu.vector_load %arg8[%swap3A_106, %swap3A_107] {strides = array<i32>} : memref<200x64xf32, #tpu.memory_space<vmem>>, vector<16xf32>,
      tpu.vector_store %arg8[%swap3A_106, %swap3A_107], %get3A_104 {strides = array<i32>} : memref<200x64xf32, #tpu.memory_space<vmem>>, vector<16xf32>,
      %scan3A_109 = arith.constant 1 : i32
      %scan3A_110 = arith.constant 199 : i32
      %scan3A_111 = arith.addi %scan3A_109, %scan3A_110 : i32
      %scan3A_112 = arith.constant 1 : i32
      %scan3A_113:4 = scf.for %scan3A_208 = %scan3A_109 to %scan3A_111 step %scan3A_112 iter_args(%scan3A_209 = %get3A_81, %scan3A_210 = %get3A_88, %scan3A_211 = %get3A_96, %scan3A_212 = %get3A_104) -> (vector<16xf32>, vector<16xf32>, vector<16xf32>, vector<16xf32>)  : i32 {
        %get3A_213 = arith.index_cast %scan3A_208 : i32 to index
        %get3A_214 = arith.constant 0 : index
        %get3A_215 = tpu.vector_load %arg6[%get3A_213, %get3A_214] {strides = array<i32>} : memref<200x128xf32, #tpu.memory_space<vmem>>, vector<16xf32>,
        %get3A_216 = arith.index_cast %scan3A_208 : i32 to index
        %get3A_217 = arith.constant 16 : index
        %get3A_218 = tpu.vector_load %arg6[%get3A_216, %get3A_217] {strides = array<i32>} : memref<200x128xf32, #tpu.memory_space<vmem>>, vector<16xf32>,
        %get3A_219 = arith.index_cast %scan3A_208 : i32 to index
        %get3A_220 = arith.constant 32 : index
        %get3A_221 = tpu.vector_load %arg6[%get3A_219, %get3A_220] {strides = array<i32>} : memref<200x128xf32, #tpu.memory_space<vmem>>, vector<16xf32>,
        %get3A_222 = arith.index_cast %scan3A_208 : i32 to index
        %get3A_223 = arith.constant 48 : index
        %get3A_224 = tpu.vector_load %arg6[%get3A_222, %get3A_223] {strides = array<i32>} : memref<200x128xf32, #tpu.memory_space<vmem>>, vector<16xf32>,
        %mul3A_225 = arith.constant 1.100000e+00 : f32
        %mul3A_226 = vector.broadcast %mul3A_225 : f32 to vector<16xf32>
        %mul3A_227 = arith.mulf %get3A_215, %mul3A_226 : vector<16xf32>
        %mul3A_228 = arith.constant 1.000000e-01 : f32
        %mul3A_229 = vector.broadcast %mul3A_228 : f32 to vector<16xf32>
        %mul3A_230 = arith.mulf %scan3A_209, %mul3A_229 : vector<16xf32>
        %sub3A = arith.subf %mul3A_227, %mul3A_230 : vector<16xf32>
        %swap3A_231 = arith.index_cast %scan3A_208 : i32 to index
        %swap3A_232 = arith.constant 0 : index
        %swap3A_233 = tpu.vector_load %arg8[%swap3A_231, %swap3A_232] {strides = array<i32>} : memref<200x64xf32, #tpu.memory_space<vmem>>, vector<16xf32>,
        tpu.vector_store %arg8[%swap3A_231, %swap3A_232], %sub3A {strides = array<i32>} : memref<200x64xf32, #tpu.memory_space<vmem>>, vector<16xf32>,
        %mul3A_234 = arith.constant 1.100000e+00 : f32
        %mul3A_235 = vector.broadcast %mul3A_234 : f32 to vector<16xf32>
        %mul3A_236 = arith.mulf %get3A_218, %mul3A_235 : vector<16xf32>
        %mul3A_237 = arith.constant 1.000000e-01 : f32
        %mul3A_238 = vector.broadcast %mul3A_237 : f32 to vector<16xf32>
        %mul3A_239 = arith.mulf %scan3A_210, %mul3A_238 : vector<16xf32>
        %sub3A_240 = arith.subf %mul3A_236, %mul3A_239 : vector<16xf32>
        %swap3A_241 = arith.index_cast %scan3A_208 : i32 to index
        %swap3A_242 = arith.constant 16 : index
        %swap3A_243 = tpu.vector_load %arg8[%swap3A_241, %swap3A_242] {strides = array<i32>} : memref<200x64xf32, #tpu.memory_space<vmem>>, vector<16xf32>,
        tpu.vector_store %arg8[%swap3A_241, %swap3A_242], %sub3A_240 {strides = array<i32>} : memref<200x64xf32, #tpu.memory_space<vmem>>, vector<16xf32>,
        %mul3A_244 = arith.constant 1.100000e+00 : f32
        %mul3A_245 = vector.broadcast %mul3A_244 : f32 to vector<16xf32>
        %mul3A_246 = arith.mulf %get3A_221, %mul3A_245 : vector<16xf32>
        %mul3A_247 = arith.constant 1.000000e-01 : f32
        %mul3A_248 = vector.broadcast %mul3A_247 : f32 to vector<16xf32>
        %mul3A_249 = arith.mulf %scan3A_211, %mul3A_248 : vector<16xf32>
        %sub3A_250 = arith.subf %mul3A_246, %mul3A_249 : vector<16xf32>
        %swap3A_251 = arith.index_cast %scan3A_208 : i32 to index
        %swap3A_252 = arith.constant 32 : index
        %swap3A_253 = tpu.vector_load %arg8[%swap3A_251, %swap3A_252] {strides = array<i32>} : memref<200x64xf32, #tpu.memory_space<vmem>>, vector<16xf32>,
        tpu.vector_store %arg8[%swap3A_251, %swap3A_252], %sub3A_250 {strides = array<i32>} : memref<200x64xf32, #tpu.memory_space<vmem>>, vector<16xf32>,
        %mul3A_254 = arith.constant 1.100000e+00 : f32
        %mul3A_255 = vector.broadcast %mul3A_254 : f32 to vector<16xf32>
        %mul3A_256 = arith.mulf %get3A_224, %mul3A_255 : vector<16xf32>
        %mul3A_257 = arith.constant 1.000000e-01 : f32
        %mul3A_258 = vector.broadcast %mul3A_257 : f32 to vector<16xf32>
        %mul3A_259 = arith.mulf %scan3A_212, %mul3A_258 : vector<16xf32>
        %sub3A_260 = arith.subf %mul3A_256, %mul3A_259 : vector<16xf32>
        %swap3A_261 = arith.index_cast %scan3A_208 : i32 to index
        %swap3A_262 = arith.constant 48 : index
        %swap3A_263 = tpu.vector_load %arg8[%swap3A_261, %swap3A_262] {strides = array<i32>} : memref<200x64xf32, #tpu.memory_space<vmem>>, vector<16xf32>,
        tpu.vector_store %arg8[%swap3A_261, %swap3A_262], %sub3A_260 {strides = array<i32>} : memref<200x64xf32, #tpu.memory_space<vmem>>, vector<16xf32>,
        scf.yield %get3A_215, %get3A_218, %get3A_221, %get3A_224 : vector<16xf32>, vector<16xf32>, vector<16xf32>, vector<16xf32>
      }
      %scan3A_114 = arith.constant 199 : i32
      %add3A_115 = arith.addi %mul3A_2, %add3A_50 : i32
      %dma_start3A_116 = arith.constant 0 : i32
      %dma_start3A_117 = arith.constant 0 : i32
      %dma_start3A_118 = tpu.memref_slice %arg4[%add3A_115, %dma_start3A_116, %dma_start3A_117] : memref<4096x200x64xf32, #tpu.memory_space<hbm>> -> memref<1x200x64xf32, #tpu.memory_space<hbm>>
      %dma_start3A_119 = tpu.memref_squeeze %dma_start3A_118 : memref<1x200x64xf32, #tpu.memory_space<hbm>> -> memref<200x64xf32, #tpu.memory_space<hbm>>
      %dma_start3A_120 = arith.constant 0 : i32
      %dma_start3A_121 = arith.constant 0 : i32
      %dma_start3A_122 = tpu.memref_slice %arg4[%add3A_115, %dma_start3A_120, %dma_start3A_121] : memref<4096x200x64xf32, #tpu.memory_space<hbm>> -> memref<1x200x64xf32, #tpu.memory_space<hbm>>
      %dma_start3A_123 = tpu.memref_squeeze %dma_start3A_122 : memref<1x200x64xf32, #tpu.memory_space<hbm>> -> memref<200x64xf32, #tpu.memory_space<hbm>>
      tpu.enqueue_dma source(%arg8 : memref<200x64xf32, #tpu.memory_space<vmem>>) target(%dma_start3A_123 : memref<200x64xf32, #tpu.memory_space<hbm>>) target_semaphore(%arg12 : memref<!tpu.dma_semaphore, #tpu.memory_space<semaphore_mem>>)
      %mul3A_124 = arith.constant 2 : i32
      %mul3A_125 = arith.muli %scan3A_45, %mul3A_124 : i32
      %add3A_126 = arith.constant 1 : i32
      %add3A_127 = arith.addi %mul3A_125, %add3A_126 : i32
      %add3A_128 = arith.constant 1 : i32
      %add3A_129 = arith.addi %add3A_127, %add3A_128 : i32
      %lt3A_130 = arith.constant 128 : i32
      %lt3A_131 = arith.cmpi slt, %add3A_129, %lt3A_130 : i32
      %convert_element_type3A_132 = arith.extui %lt3A_131 : i1 to i32
      %cond3A_133 = arith.constant 0 : i32
      %cond3A_134 = arith.cmpi ne, %convert_element_type3A_132, %cond3A_133 : i32
      scf.if %cond3A_134 {
        %add3A_208 = arith.constant 1 : i32
        %add3A_209 = arith.addi %add3A_127, %add3A_208 : i32
        %mul3A_210 = arith.constant 200 : i32
        %mul3A_211 = arith.muli %add3A_209, %mul3A_210 : i32
        %dma_start3A_212 = arith.constant 0 : i32
        %dma_start3A_213 = arith.constant 0 : i32
        %dma_start3A_214 = tpu.memref_slice %arg6[%dma_start3A_212, %dma_start3A_213] : memref<200x128xf32, #tpu.memory_space<vmem>> -> memref<128x128xf32, #tpu.memory_space<vmem>>
        %dma_start3A_215 = tpu.memref_slice %arg5[%mul3A_211] : memref<25600xi32, #tpu.memory_space<vmem>> -> memref<128xi32, #tpu.memory_space<vmem>>
        %dma_start3A_216 = arith.constant 0 : i32
        %dma_start3A_217 = arith.constant 0 : i32
        %dma_start3A_218 = tpu.memref_slice %arg3[%dma_start3A_216, %dma_start3A_217] : memref<1000000x128xf32, #tpu.memory_space<hbm>> -> memref<1000000x128xf32, #tpu.memory_space<hbm>>
        tpu.enqueue_indirect_dma source(%dma_start3A_218 : memref<1000000x128xf32, #tpu.memory_space<hbm>>) target(%dma_start3A_214 : memref<128x128xf32, #tpu.memory_space<vmem>>) offsets(%dma_start3A_215 : memref<128xi32, #tpu.memory_space<vmem>>) semaphore(%arg10 : memref<!tpu.dma_semaphore, #tpu.memory_space<semaphore_mem>>)
        %mul3A_219 = arith.constant 200 : i32
        %mul3A_220 = arith.muli %add3A_209, %mul3A_219 : i32
        %add3A_221 = arith.constant 128 : i32
        %add3A_222 = arith.addi %mul3A_220, %add3A_221 : i32
        %dma_start3A_223 = arith.constant 128 : i32
        %dma_start3A_224 = arith.constant 0 : i32
        %dma_start3A_225 = tpu.memref_slice %arg6[%dma_start3A_223, %dma_start3A_224] : memref<200x128xf32, #tpu.memory_space<vmem>> -> memref<72x128xf32, #tpu.memory_space<vmem>>
        %dma_start3A_226 = tpu.memref_slice %arg5[%add3A_222] : memref<25600xi32, #tpu.memory_space<vmem>> -> memref<72xi32, #tpu.memory_space<vmem>>
        %dma_start3A_227 = arith.constant 0 : i32
        %dma_start3A_228 = arith.constant 0 : i32
        %dma_start3A_229 = tpu.memref_slice %arg3[%dma_start3A_227, %dma_start3A_228] : memref<1000000x128xf32, #tpu.memory_space<hbm>> -> memref<1000000x128xf32, #tpu.memory_space<hbm>>
        tpu.enqueue_indirect_dma source(%dma_start3A_229 : memref<1000000x128xf32, #tpu.memory_space<hbm>>) target(%dma_start3A_225 : memref<72x128xf32, #tpu.memory_space<vmem>>) offsets(%dma_start3A_226 : memref<72xi32, #tpu.memory_space<vmem>>) semaphore(%arg10 : memref<!tpu.dma_semaphore, #tpu.memory_space<semaphore_mem>>)
      } else {
      }
      %mul3A_135 = arith.constant 200 : i32
      %mul3A_136 = arith.muli %add3A_127, %mul3A_135 : i32
      %dma_wait3A_137 = arith.constant 0 : i32
      %dma_wait3A_138 = arith.constant 0 : i32
      %dma_wait3A_139 = tpu.memref_slice %arg7[%dma_wait3A_137, %dma_wait3A_138] : memref<200x128xf32, #tpu.memory_space<vmem>> -> memref<128x128xf32, #tpu.memory_space<vmem>>
      %dma_wait3A_140 = tpu.memref_slice %arg5[%mul3A_136] : memref<25600xi32, #tpu.memory_space<vmem>> -> memref<128xi32, #tpu.memory_space<vmem>>
      %dma_wait3A_141 = arith.constant 0 : i32
      %dma_wait3A_142 = arith.constant 0 : i32
      %dma_wait3A_143 = tpu.memref_slice %arg3[%dma_wait3A_141, %dma_wait3A_142] : memref<1000000x128xf32, #tpu.memory_space<hbm>> -> memref<1000000x128xf32, #tpu.memory_space<hbm>>
      tpu.wait_indirect_dma semaphore(%arg11 : memref<!tpu.dma_semaphore, #tpu.memory_space<semaphore_mem>>) src(%dma_wait3A_143 : memref<1000000x128xf32, #tpu.memory_space<hbm>>) dst(%dma_wait3A_139 : memref<128x128xf32, #tpu.memory_space<vmem>>)
      %mul3A_144 = arith.constant 200 : i32
      %mul3A_145 = arith.muli %add3A_127, %mul3A_144 : i32
      %add3A_146 = arith.constant 128 : i32
      %add3A_147 = arith.addi %mul3A_145, %add3A_146 : i32
      %dma_wait3A_148 = arith.constant 128 : i32
      %dma_wait3A_149 = arith.constant 0 : i32
      %dma_wait3A_150 = tpu.memref_slice %arg7[%dma_wait3A_148, %dma_wait3A_149] : memref<200x128xf32, #tpu.memory_space<vmem>> -> memref<72x128xf32, #tpu.memory_space<vmem>>
      %dma_wait3A_151 = tpu.memref_slice %arg5[%add3A_147] : memref<25600xi32, #tpu.memory_space<vmem>> -> memref<72xi32, #tpu.memory_space<vmem>>
      %dma_wait3A_152 = arith.constant 0 : i32
      %dma_wait3A_153 = arith.constant 0 : i32
      %dma_wait3A_154 = tpu.memref_slice %arg3[%dma_wait3A_152, %dma_wait3A_153] : memref<1000000x128xf32, #tpu.memory_space<hbm>> -> memref<1000000x128xf32, #tpu.memory_space<hbm>>
      tpu.wait_indirect_dma semaphore(%arg11 : memref<!tpu.dma_semaphore, #tpu.memory_space<semaphore_mem>>) src(%dma_wait3A_154 : memref<1000000x128xf32, #tpu.memory_space<hbm>>) dst(%dma_wait3A_150 : memref<72x128xf32, #tpu.memory_space<vmem>>)
      %ge3A_155 = arith.constant 2 : i32
      %ge3A_156 = arith.cmpi sge, %add3A_127, %ge3A_155 : i32
      %convert_element_type3A_157 = arith.extui %ge3A_156 : i1 to i32
      %cond3A_158 = arith.constant 0 : i32
      %cond3A_159 = arith.cmpi ne, %convert_element_type3A_157, %cond3A_158 : i32
      scf.if %cond3A_159 {
        %sub3A = arith.constant 2 : i32
        %sub3A_208 = arith.subi %add3A_127, %sub3A : i32
        %add3A_209 = arith.addi %mul3A_2, %sub3A_208 : i32
        %dma_wait3A_210 = arith.constant 0 : i32
        %dma_wait3A_211 = arith.constant 0 : i32
        %dma_wait3A_212 = tpu.memref_slice %arg4[%add3A_209, %dma_wait3A_210, %dma_wait3A_211] : memref<4096x200x64xf32, #tpu.memory_space<hbm>> -> memref<1x200x64xf32, #tpu.memory_space<hbm>>
        %dma_wait3A_213 = tpu.memref_squeeze %dma_wait3A_212 : memref<1x200x64xf32, #tpu.memory_space<hbm>> -> memref<200x64xf32, #tpu.memory_space<hbm>>
        %dma_wait3A_214 = arith.constant 0 : i32
        %dma_wait3A_215 = arith.constant 0 : i32
        %dma_wait3A_216 = tpu.memref_slice %arg4[%add3A_209, %dma_wait3A_214, %dma_wait3A_215] : memref<4096x200x64xf32, #tpu.memory_space<hbm>> -> memref<1x200x64xf32, #tpu.memory_space<hbm>>
        %dma_wait3A_217 = tpu.memref_squeeze %dma_wait3A_216 : memref<1x200x64xf32, #tpu.memory_space<hbm>> -> memref<200x64xf32, #tpu.memory_space<hbm>>
        tpu.wait_dma2 semaphore(%arg13 : memref<!tpu.dma_semaphore, #tpu.memory_space<semaphore_mem>>) src(%arg9 : memref<200x64xf32, #tpu.memory_space<vmem>>) dst(%dma_wait3A_217 : memref<200x64xf32, #tpu.memory_space<hbm>>)
      } else {
      }
      %get3A_160 = arith.constant 0 : i32
      %get3A_161 = arith.index_cast %get3A_160 : i32 to index
      %get3A_162 = arith.constant 0 : index
      %get3A_163 = tpu.vector_load %arg7[%get3A_161, %get3A_162] {strides = array<i32>} : memref<200x128xf32, #tpu.memory_space<vmem>>, vector<16xf32>,
      %swap3A_164 = arith.constant 0 : i32
      %swap3A_165 = arith.index_cast %swap3A_164 : i32 to index
      %swap3A_166 = arith.constant 0 : index
      %swap3A_167 = tpu.vector_load %arg9[%swap3A_165, %swap3A_166] {strides = array<i32>} : memref<200x64xf32, #tpu.memory_space<vmem>>, vector<16xf32>,
      tpu.vector_store %arg9[%swap3A_165, %swap3A_166], %get3A_163 {strides = array<i32>} : memref<200x64xf32, #tpu.memory_space<vmem>>, vector<16xf32>,
      %get3A_168 = arith.constant 0 : i32
      %get3A_169 = arith.index_cast %get3A_168 : i32 to index
      %get3A_170 = arith.constant 16 : index
      %get3A_171 = tpu.vector_load %arg7[%get3A_169, %get3A_170] {strides = array<i32>} : memref<200x128xf32, #tpu.memory_space<vmem>>, vector<16xf32>,
      %swap3A_172 = arith.constant 0 : i32
      %swap3A_173 = arith.index_cast %swap3A_172 : i32 to index
      %swap3A_174 = arith.constant 16 : index
      %swap3A_175 = tpu.vector_load %arg9[%swap3A_173, %swap3A_174] {strides = array<i32>} : memref<200x64xf32, #tpu.memory_space<vmem>>, vector<16xf32>,
      tpu.vector_store %arg9[%swap3A_173, %swap3A_174], %get3A_171 {strides = array<i32>} : memref<200x64xf32, #tpu.memory_space<vmem>>, vector<16xf32>,
      %get3A_176 = arith.constant 0 : i32
      %get3A_177 = arith.index_cast %get3A_176 : i32 to index
      %get3A_178 = arith.constant 32 : index
      %get3A_179 = tpu.vector_load %arg7[%get3A_177, %get3A_178] {strides = array<i32>} : memref<200x128xf32, #tpu.memory_space<vmem>>, vector<16xf32>,
      %swap3A_180 = arith.constant 0 : i32
      %swap3A_181 = arith.index_cast %swap3A_180 : i32 to index
      %swap3A_182 = arith.constant 32 : index
      %swap3A_183 = tpu.vector_load %arg9[%swap3A_181, %swap3A_182] {strides = array<i32>} : memref<200x64xf32, #tpu.memory_space<vmem>>, vector<16xf32>,
      tpu.vector_store %arg9[%swap3A_181, %swap3A_182], %get3A_179 {strides = array<i32>} : memref<200x64xf32, #tpu.memory_space<vmem>>, vector<16xf32>,
      %get3A_184 = arith.constant 0 : i32
      %get3A_185 = arith.index_cast %get3A_184 : i32 to index
      %get3A_186 = arith.constant 48 : index
      %get3A_187 = tpu.vector_load %arg7[%get3A_185, %get3A_186] {strides = array<i32>} : memref<200x128xf32, #tpu.memory_space<vmem>>, vector<16xf32>,
      %swap3A_188 = arith.constant 0 : i32
      %swap3A_189 = arith.index_cast %swap3A_188 : i32 to index
      %swap3A_190 = arith.constant 48 : index
      %swap3A_191 = tpu.vector_load %arg9[%swap3A_189, %swap3A_190] {strides = array<i32>} : memref<200x64xf32, #tpu.memory_space<vmem>>, vector<16xf32>,
      tpu.vector_store %arg9[%swap3A_189, %swap3A_190], %get3A_187 {strides = array<i32>} : memref<200x64xf32, #tpu.memory_space<vmem>>, vector<16xf32>,
      %scan3A_192 = arith.constant 1 : i32
      %scan3A_193 = arith.constant 199 : i32
      %scan3A_194 = arith.addi %scan3A_192, %scan3A_193 : i32
      %scan3A_195 = arith.constant 1 : i32
      %scan3A_196:4 = scf.for %scan3A_208 = %scan3A_192 to %scan3A_194 step %scan3A_195 iter_args(%scan3A_209 = %get3A_163, %scan3A_210 = %get3A_171, %scan3A_211 = %get3A_179, %scan3A_212 = %get3A_187) -> (vector<16xf32>, vector<16xf32>, vector<16xf32>, vector<16xf32>)  : i32 {
        %get3A_213 = arith.index_cast %scan3A_208 : i32 to index
        %get3A_214 = arith.constant 0 : index
        %get3A_215 = tpu.vector_load %arg7[%get3A_213, %get3A_214] {strides = array<i32>} : memref<200x128xf32, #tpu.memory_space<vmem>>, vector<16xf32>,
        %get3A_216 = arith.index_cast %scan3A_208 : i32 to index
        %get3A_217 = arith.constant 16 : index
        %get3A_218 = tpu.vector_load %arg7[%get3A_216, %get3A_217] {strides = array<i32>} : memref<200x128xf32, #tpu.memory_space<vmem>>, vector<16xf32>,
        %get3A_219 = arith.index_cast %scan3A_208 : i32 to index
        %get3A_220 = arith.constant 32 : index
        %get3A_221 = tpu.vector_load %arg7[%get3A_219, %get3A_220] {strides = array<i32>} : memref<200x128xf32, #tpu.memory_space<vmem>>, vector<16xf32>,
        %get3A_222 = arith.index_cast %scan3A_208 : i32 to index
        %get3A_223 = arith.constant 48 : index
        %get3A_224 = tpu.vector_load %arg7[%get3A_222, %get3A_223] {strides = array<i32>} : memref<200x128xf32, #tpu.memory_space<vmem>>, vector<16xf32>,
        %mul3A_225 = arith.constant 1.100000e+00 : f32
        %mul3A_226 = vector.broadcast %mul3A_225 : f32 to vector<16xf32>
        %mul3A_227 = arith.mulf %get3A_215, %mul3A_226 : vector<16xf32>
        %mul3A_228 = arith.constant 1.000000e-01 : f32
        %mul3A_229 = vector.broadcast %mul3A_228 : f32 to vector<16xf32>
        %mul3A_230 = arith.mulf %scan3A_209, %mul3A_229 : vector<16xf32>
        %sub3A = arith.subf %mul3A_227, %mul3A_230 : vector<16xf32>
        %swap3A_231 = arith.index_cast %scan3A_208 : i32 to index
        %swap3A_232 = arith.constant 0 : index
        %swap3A_233 = tpu.vector_load %arg9[%swap3A_231, %swap3A_232] {strides = array<i32>} : memref<200x64xf32, #tpu.memory_space<vmem>>, vector<16xf32>,
        tpu.vector_store %arg9[%swap3A_231, %swap3A_232], %sub3A {strides = array<i32>} : memref<200x64xf32, #tpu.memory_space<vmem>>, vector<16xf32>,
        %mul3A_234 = arith.constant 1.100000e+00 : f32
        %mul3A_235 = vector.broadcast %mul3A_234 : f32 to vector<16xf32>
        %mul3A_236 = arith.mulf %get3A_218, %mul3A_235 : vector<16xf32>
        %mul3A_237 = arith.constant 1.000000e-01 : f32
        %mul3A_238 = vector.broadcast %mul3A_237 : f32 to vector<16xf32>
        %mul3A_239 = arith.mulf %scan3A_210, %mul3A_238 : vector<16xf32>
        %sub3A_240 = arith.subf %mul3A_236, %mul3A_239 : vector<16xf32>
        %swap3A_241 = arith.index_cast %scan3A_208 : i32 to index
        %swap3A_242 = arith.constant 16 : index
        %swap3A_243 = tpu.vector_load %arg9[%swap3A_241, %swap3A_242] {strides = array<i32>} : memref<200x64xf32, #tpu.memory_space<vmem>>, vector<16xf32>,
        tpu.vector_store %arg9[%swap3A_241, %swap3A_242], %sub3A_240 {strides = array<i32>} : memref<200x64xf32, #tpu.memory_space<vmem>>, vector<16xf32>,
        %mul3A_244 = arith.constant 1.100000e+00 : f32
        %mul3A_245 = vector.broadcast %mul3A_244 : f32 to vector<16xf32>
        %mul3A_246 = arith.mulf %get3A_221, %mul3A_245 : vector<16xf32>
        %mul3A_247 = arith.constant 1.000000e-01 : f32
        %mul3A_248 = vector.broadcast %mul3A_247 : f32 to vector<16xf32>
        %mul3A_249 = arith.mulf %scan3A_211, %mul3A_248 : vector<16xf32>
        %sub3A_250 = arith.subf %mul3A_246, %mul3A_249 : vector<16xf32>
        %swap3A_251 = arith.index_cast %scan3A_208 : i32 to index
        %swap3A_252 = arith.constant 32 : index
        %swap3A_253 = tpu.vector_load %arg9[%swap3A_251, %swap3A_252] {strides = array<i32>} : memref<200x64xf32, #tpu.memory_space<vmem>>, vector<16xf32>,
        tpu.vector_store %arg9[%swap3A_251, %swap3A_252], %sub3A_250 {strides = array<i32>} : memref<200x64xf32, #tpu.memory_space<vmem>>, vector<16xf32>,
        %mul3A_254 = arith.constant 1.100000e+00 : f32
        %mul3A_255 = vector.broadcast %mul3A_254 : f32 to vector<16xf32>
        %mul3A_256 = arith.mulf %get3A_224, %mul3A_255 : vector<16xf32>
        %mul3A_257 = arith.constant 1.000000e-01 : f32
        %mul3A_258 = vector.broadcast %mul3A_257 : f32 to vector<16xf32>
        %mul3A_259 = arith.mulf %scan3A_212, %mul3A_258 : vector<16xf32>
        %sub3A_260 = arith.subf %mul3A_256, %mul3A_259 : vector<16xf32>
        %swap3A_261 = arith.index_cast %scan3A_208 : i32 to index
        %swap3A_262 = arith.constant 48 : index
        %swap3A_263 = tpu.vector_load %arg9[%swap3A_261, %swap3A_262] {strides = array<i32>} : memref<200x64xf32, #tpu.memory_space<vmem>>, vector<16xf32>,
        tpu.vector_store %arg9[%swap3A_261, %swap3A_262], %sub3A_260 {strides = array<i32>} : memref<200x64xf32, #tpu.memory_space<vmem>>, vector<16xf32>,
        scf.yield %get3A_215, %get3A_218, %get3A_221, %get3A_224 : vector<16xf32>, vector<16xf32>, vector<16xf32>, vector<16xf32>
      }
      %scan3A_197 = arith.constant 199 : i32
      %add3A_198 = arith.addi %mul3A_2, %add3A_127 : i32
      %dma_start3A_199 = arith.constant 0 : i32
      %dma_start3A_200 = arith.constant 0 : i32
      %dma_start3A_201 = tpu.memref_slice %arg4[%add3A_198, %dma_start3A_199, %dma_start3A_200] : memref<4096x200x64xf32, #tpu.memory_space<hbm>> -> memref<1x200x64xf32, #tpu.memory_space<hbm>>
      %dma_start3A_202 = tpu.memref_squeeze %dma_start3A_201 : memref<1x200x64xf32, #tpu.memory_space<hbm>> -> memref<200x64xf32, #tpu.memory_space<hbm>>
      %dma_start3A_203 = arith.constant 0 : i32
      %dma_start3A_204 = arith.constant 0 : i32
      %dma_start3A_205 = tpu.memref_slice %arg4[%add3A_198, %dma_start3A_203, %dma_start3A_204] : memref<4096x200x64xf32, #tpu.memory_space<hbm>> -> memref<1x200x64xf32, #tpu.memory_space<hbm>>
      %dma_start3A_206 = tpu.memref_squeeze %dma_start3A_205 : memref<1x200x64xf32, #tpu.memory_space<hbm>> -> memref<200x64xf32, #tpu.memory_space<hbm>>
      tpu.enqueue_dma source(%arg9 : memref<200x64xf32, #tpu.memory_space<vmem>>) target(%dma_start3A_206 : memref<200x64xf32, #tpu.memory_space<hbm>>) target_semaphore(%arg13 : memref<!tpu.dma_semaphore, #tpu.memory_space<semaphore_mem>>)
      %scan3A_207 = arith.constant 0 : i32
      scf.yield %scan3A_207 : i32
    }
    %scan3A_25 = arith.constant 64 : i32
    %add3A_26 = arith.constant 126 : i32
    %add3A_27 = arith.addi %mul3A_2, %add3A_26 : i32
    %dma_wait3A = arith.constant 0 : i32
    %dma_wait3A_28 = arith.constant 0 : i32
    %dma_wait3A_29 = tpu.memref_slice %arg4[%add3A_27, %dma_wait3A, %dma_wait3A_28] : memref<4096x200x64xf32, #tpu.memory_space<hbm>> -> memref<1x200x64xf32, #tpu.memory_space<hbm>>
    %dma_wait3A_30 = tpu.memref_squeeze %dma_wait3A_29 : memref<1x200x64xf32, #tpu.memory_space<hbm>> -> memref<200x64xf32, #tpu.memory_space<hbm>>
    %dma_wait3A_31 = arith.constant 0 : i32
    %dma_wait3A_32 = arith.constant 0 : i32
    %dma_wait3A_33 = tpu.memref_slice %arg4[%add3A_27, %dma_wait3A_31, %dma_wait3A_32] : memref<4096x200x64xf32, #tpu.memory_space<hbm>> -> memref<1x200x64xf32, #tpu.memory_space<hbm>>
    %dma_wait3A_34 = tpu.memref_squeeze %dma_wait3A_33 : memref<1x200x64xf32, #tpu.memory_space<hbm>> -> memref<200x64xf32, #tpu.memory_space<hbm>>
    tpu.wait_dma2 semaphore(%arg12 : memref<!tpu.dma_semaphore, #tpu.memory_space<semaphore_mem>>) src(%arg8 : memref<200x64xf32, #tpu.memory_space<vmem>>) dst(%dma_wait3A_34 : memref<200x64xf32, #tpu.memory_space<hbm>>)
    %add3A_35 = arith.constant 127 : i32
    %add3A_36 = arith.addi %mul3A_2, %add3A_35 : i32
    %dma_wait3A_37 = arith.constant 0 : i32
    %dma_wait3A_38 = arith.constant 0 : i32
    %dma_wait3A_39 = tpu.memref_slice %arg4[%add3A_36, %dma_wait3A_37, %dma_wait3A_38] : memref<4096x200x64xf32, #tpu.memory_space<hbm>> -> memref<1x200x64xf32, #tpu.memory_space<hbm>>
    %dma_wait3A_40 = tpu.memref_squeeze %dma_wait3A_39 : memref<1x200x64xf32, #tpu.memory_space<hbm>> -> memref<200x64xf32, #tpu.memory_space<hbm>>
    %dma_wait3A_41 = arith.constant 0 : i32
    %dma_wait3A_42 = arith.constant 0 : i32
    %dma_wait3A_43 = tpu.memref_slice %arg4[%add3A_36, %dma_wait3A_41, %dma_wait3A_42] : memref<4096x200x64xf32, #tpu.memory_space<hbm>> -> memref<1x200x64xf32, #tpu.memory_space<hbm>>
    %dma_wait3A_44 = tpu.memref_squeeze %dma_wait3A_43 : memref<1x200x64xf32, #tpu.memory_space<hbm>> -> memref<200x64xf32, #tpu.memory_space<hbm>>
    tpu.wait_dma2 semaphore(%arg13 : memref<!tpu.dma_semaphore, #tpu.memory_space<semaphore_mem>>) src(%arg9 : memref<200x64xf32, #tpu.memory_space<vmem>>) dst(%dma_wait3A_44 : memref<200x64xf32, #tpu.memory_space<hbm>>)
    return
  }
}

</mosaic_0001>

<sc_bundles>
// kernel: _gather_enhance.3.cloned.1.call-start
scs
__scs_entry_jumppad:
0x0: {  	(pc) =	sbr.rel $0x88, $3  }
0x1: {  	(tag) =	ssettag $0x0;
	lr =	simm.s32 $0x1  }
0x2: {  	[smem:$0x3F9F] =	sst lr;
	_ =	strace $0xD0000000  }
0x3: {  	_ = 	snop  }
0x4: {  	_ = 	snop  }
0x5: {  	_ = 	snop  }
0x6: {  	_ = 	snop  }
0x7: {  	_ = 	snop  }
__scs_overlays_trampoline_lowered:
0x8: {  	[smem:$0x3FAE] =	sst s0  }
0x9: {  	[smem:$0x3FAF] =	sst s1  }
0xa: {  	[smem:$0x3FB0] =	sst s2  }
0xb: {  	[smem:$0x3FB1] =	sst s3  }
0xc: {  	[smem:$0x3FB2] =	sst s4  }
0xd: {  	[smem:$0x3FB3] =	sst s5  }
0xe: {  	[smem:$0x3FB4] =	sst s6  }
0xf: {  	[smem:$0x3FB5] =	sst s7  }
0x10: {  	[smem:$0x3FB6] =	sst s8  }
0x11: {  	[smem:$0x3FB7] =	sst s9;
	s0 =	simm.s32 @!p0 $0x0  }
0x12: {  	s1 =	sld [smem:$0x3F9D];
	s0 =	simm.s32 @p0 $0x1  }
0x13: {  	[smem:$0x3FB8] =	sst s0;
	s0 =	simm.s32 @!p1 $0x0  }
0x14: {  	s2 =	sld [smem:$0x3F9C];
	s0 =	simm.s32 @p1 $0x1  }
0x15: {  	[smem:$0x3FB9] =	sst s0;
	s0 =	simm.s32 @!p2 $0x0  }
0x16: {  	s3 =	sld [smem:$0x3FDB];
	s0 =	simm.s32 @p2 $0x1  }
0x17: {  	s4 =	simm.s32 $0x1BF5;
	[smem:$0x3FBB] =	sst s0  }
0x18: {  	s0 =	sld [smem:$0x3F9E];
	_ =	swait.ge [sflag:s4], $0x0  }
0x19: {  	s7 =	sld [smem:$0x3F9F]  }
0x1a: {  	s8 =	sadd.s32 $0xFFFFE003, lr  }
0x1b: {  	s9 =	sadd.s32 $0xFFFFFEF7, lr;
	s5 =	simm.s32 $0xFFFFFFFF;
	p2 =	slt.u32 s8, $0xFFFFF086  }
0x1c: {  	p1 =	slt.u32 s9, $0xF7A;
	s5 =	simm.s32 @!p2 $0x0  }
0x1d: {  	s5 =	simm.s32 @p1 $0x1;
	p0 =	seq.s32 s7, s2  }
0x1e: {  	s7 =	smul.u32 @!p0 $0xF7A, s2;
	p2 =	seq.s32 @!p0 s5, $0x0  }
0x1f: {  	s9 =	smul.u32 $0xF7A, s1;
	s8 =	simm.s32 @!p0 $0x1BF5;
	p2 =	por !p2, p0  }
0x20: {  	[sflag:s8] =	ssyncset.s32 @!p0 $0xFFFFF086;
	s6 =	sadd.s32 @!p0 s3, s7;
	s7 =	simm.s32 @!p0 $0x108  }
0x21: {  	s3 =	sadd.s32 s3, s9;
	s6 =	sadd.s32 @!p0 $0x88, s6;
	s7 =	simm.s32 @p2 $0x1082  }
0x22: {  	[simem:s7], [sflag:s8] =	dma.local @!p0 [hbm:s6], $0xF7A  }
0x23: {  	s9 =	sor.u32 $0xD0000000, s2;
	s6 =	simm.s32 $0x108;
	_ =	swait.ge @!p0 [sflag:s8], $0x0  }
0x24: {  	s3 =	sadd.s32 $0x88, s3;
	s6 =	simm.s32 @!p1 $0x1082;
	[sflag:s4] =	ssyncset.s32 $0xFFFFF086  }
0x25: {  	[simem:s6], [sflag:s4] =	dma.local [hbm:s3], $0xF7A  }
0x26: {  	[smem:$0x3F9F] =	sst s1;
	(tag) =	ssettag s2;
	_ =	strace s9  }
0x27: {  	s1 =	sld [smem:$0x3FAF]  }
0x28: {  	s2 =	sld [smem:$0x3FB0]  }
0x29: {  	s4 =	sld [smem:$0x3FB2]  }
0x2a: {  	p0 =	seq.s32 s5, $0x0;
	s5 =	sld [smem:$0x3FB3]  }
0x2b: {  	s6 =	sld [smem:$0x3FB4]  }
0x2c: {  	s7 =	sld [smem:$0x3FB5]  }
0x2d: {  	s3 =	simm.s32 $0x108;
	s8 =	sld [smem:$0x3FB6]  }
0x2e: {  	s3 =	simm.s32 @!p0 $0x1082;
	s9 =	sld [smem:$0x3FB7]  }
0x2f: {  	lr =	sadd.s32 s0, s3;
	s0 =	sld [smem:$0x3FAE]  }
0x30: {  	s3 =	sld [smem:$0x3FB1]  }
0x31: {  	[smem:$0x3FBA] =	sst s10  }
0x32: {  	s10 =	sld [smem:$0x3FB8];
	_ =	sdelay $0x3  }
0x33: {  	p0 =	seq.s32 s10, $0x1;
	s10 =	sld [smem:$0x3FBA];
	_ =	sdelay $0x3  }
0x34: {  	[smem:$0x3FBA] =	sst s10  }
0x35: {  	s10 =	sld [smem:$0x3FB9];
	_ =	sdelay $0x3  }
0x36: {  	p1 =	seq.s32 s10, $0x1;
	s10 =	sld [smem:$0x3FBA];
	_ =	sdelay $0x3  }
0x37: {  	[smem:$0x3FBA] =	sst s10  }
0x38: {  	s10 =	sld [smem:$0x3FBB]  }
0x39: {  	_ = 	snop;
	(pc) =	sbr.ind lr, $3  }
0x3a: {  	_ = 	snop  }
0x3b: {  	_ = 	snop  }
0x3c: {  	p2 =	seq.s32 s10, $0x1;
	s10 =	sld [smem:$0x3FBA]  }
0x3d: {  	_ =	shalt  }
0x3e: {  	_ =	shalt  }
0x3f: {  	_ =	shalt  }
0x40: {  	_ =	shalt  }
0x41: {  	_ =	shalt  }
0x42: {  	_ =	shalt  }
0x43: {  	_ =	shalt  }
0x44: {  	_ =	shalt  }
0x45: {  	_ =	shalt  }
0x46: {  	_ =	shalt  }
0x47: {  	_ =	shalt  }
0x48: {  	_ =	shalt  }
0x49: {  	_ =	shalt  }
0x4a: {  	_ =	shalt  }
0x4b: {  	_ =	shalt  }
0x4c: {  	_ =	shalt  }
0x4d: {  	_ =	shalt  }
0x4e: {  	_ =	shalt  }
0x4f: {  	_ =	shalt  }
0x50: {  	_ =	shalt  }
0x51: {  	_ =	shalt  }
0x52: {  	_ =	shalt  }
0x53: {  	_ =	shalt  }
0x54: {  	_ =	shalt  }
0x55: {  	_ =	shalt  }
0x56: {  	_ =	shalt  }
0x57: {  	_ =	shalt  }
0x58: {  	_ =	shalt  }
0x59: {  	_ =	shalt  }
0x5a: {  	_ =	shalt  }
0x5b: {  	_ =	shalt  }
0x5c: {  	_ =	shalt  }
0x5d: {  	_ =	shalt  }
0x5e: {  	_ =	shalt  }
0x5f: {  	_ =	shalt  }
0x60: {  	_ =	shalt  }
0x61: {  	_ =	shalt  }
0x62: {  	_ =	shalt  }
0x63: {  	_ =	shalt  }
0x64: {  	_ =	shalt  }
0x65: {  	_ =	shalt  }
0x66: {  	_ =	shalt  }
0x67: {  	_ =	shalt  }
0x68: {  	_ =	shalt  }
0x69: {  	_ =	shalt  }
0x6a: {  	_ =	shalt  }
0x6b: {  	_ =	shalt  }
0x6c: {  	_ =	shalt  }
0x6d: {  	_ =	shalt  }
0x6e: {  	_ =	shalt  }
0x6f: {  	_ =	shalt  }
0x70: {  	_ =	shalt  }
0x71: {  	_ =	shalt  }
0x72: {  	_ =	shalt  }
0x73: {  	_ =	shalt  }
0x74: {  	_ =	shalt  }
0x75: {  	_ =	shalt  }
0x76: {  	_ =	shalt  }
0x77: {  	_ =	shalt  }
0x78: {  	_ =	shalt  }
0x79: {  	_ =	shalt  }
0x7a: {  	_ =	shalt  }
0x7b: {  	_ =	shalt  }
0x7c: {  	_ =	shalt  }
0x7d: {  	_ =	shalt  }
0x7e: {  	_ =	shalt  }
0x7f: {  	_ =	shalt  }
0x80: {  	_ =	shalt  }
0x81: {  	_ =	shalt  }
0x82: {  	_ =	shalt  }
0x83: {  	_ =	shalt  }
0x84: {  	_ =	shalt  }
0x85: {  	_ =	shalt  }
0x86: {  	_ =	shalt  }
0x87: {  	_ =	shalt  }
.Lfunc_end0:
.L_simem_size_0:
called_computation_lowered:
.L_overlay_start_0:
0x88: {  	s2 =	sld [smem:$0x3FD9]  }
0x89: {  	s3 =	sld [smem:$0x3FFE];
	_ =	sdelay $0x1  }
0x8a: {  	s1 =	srdreg.scid  }
0x8b: {  	s0 =	sand.u32 $0x1, s1  }
0x8c: {  	s17 =	sshll.u32 s0, $0xA;
	s2 =	sadd.s32 s3, s2  }
0x8d: {  	s2 =	sadd.s32 s2, s17  }
0x8e: {  	[smem:$0x3FC6] =	sst s2  }
0x8f: {  	_ = 	snop  }
0x90: {  	s2 =	sld [smem:$0x3FC9]  }
0x91: {  	s18 =	sld [smem:$0x3FC8];
	(tm) =	ssettm $0x1  }
0x92: {  	s4 =	sld [smem:$0x3FFB];
	_ =	sdelay $0x3  }
0x93: {  	_ =	strace s4  }
0x94: {  	s4 =	sld [smem:$0x3FFC];
	_ =	sdelay $0x3  }
0x95: {  	_ =	strace s4  }
0x96: {  	s4 =	sld [smem:$0x3FFD];
	_ =	sdelay $0x3  }
0x97: {  	_ =	strace s4  }
0x98: {  	_ =	strace $0x8FFFFFFF  }
0x99: {  	s19 =	sld [smem:$0x3FDB];
	_ =	sdelay $0x1  }
0x9a: {  	s5 =	simm.s32 $_scs_section_size  }
0x9b: {  	s6 =	simm.s32 $_size__tile_overlayer_lowered;
	s7 =	simm.s32 $_tile_overlayer_lowered  }
0x9c: {  	s22 =	simm.s32 $0x1BFF;
	s21 =	sshll.u32 s7, $0x1;
	s4 =	sadd.s32 s5, s19  }
0x9d: {  	s8 =	simm.s32 $0x0;
	s20 =	sshll.u32 s6, $0x1;
	s6 =	sadd.s32 s21, s4  }
0x9e: {  	[timem:s8], [sflag:s22] =	dma.local [hbm:s6], s20  }
0x9f: {  	_ =	swait.ge [sflag:s22], s20  }
0xa0: {  	s5 =	ssub.s32 $0x0, s20;
	[sflag:s22] =	ssyncset.done $0x0  }
0xa1: {  	[sflag:s22] =	ssyncadd.s32 s5;
	_ =	sdelay $0x1  }
0xa2: {  	s23 =	simm.s32 $0x1B8B  }
0xa3: {  	_ =	swait.ge [sflag:s23], $0x1  }
0xa4: {  	[sflag:s23] =	ssyncset.done $0x0  }
0xa5: {  	s25 =	simm.s32 $0x1B8E;
	s24 =	sld [smem:$0x3FFE];
	[sflag:s23] =	ssyncadd.s32 $0xFFFFFFFF  }
0xa6: {  	s26 =	simm.s32 $execute0_lowered;
	[smem:$0x3FD2] =	sst s25  }
0xa7: {  	s6 =	sshll.u32 s26, $0x1;
	_ =	strace $0x80000046;
	[dreg:$0x1] =	wrdreg $0xFFFFFFFF  }
0xa8: {  	s28 =	simm.s32 $_size_execute0_lowered;
	s4 =	sadd.s32 s4, s6;
	[dreg:$0x0] =	wrdreg $0x0  }
0xa9: {  	s6 =	sshll.u32 s28, $0x1;
	[dreg:$0x2] =	wrdreg s4  }
0xaa: {  	[dreg:$0x3] =	wrdreg s6  }
0xab: {  	[dreg:$0x4] =	wrdreg $0xC0  }
0xac: {  	_ =	task [dreg:s8], $0x5FFFF  }
0xad: {  	[dreg:$0x1] =	wrdreg $0xFFFFFFFF  }
0xae: {  	[dreg:$0x0] =	wrdreg $0x60  }
0xaf: {  	[dreg:$0x2] =	wrdreg s2  }
0xb0: {  	[dreg:$0x3] =	wrdreg s18  }
0xb1: {  	[dreg:$0x4] =	wrdreg s24  }
0xb2: {  	[dreg:$0x5] =	wrdreg $0x9  }
0xb3: {  	_ =	task.clear_ibuf [dreg:s8], $0x6FFFF;
	_ =	strace $0x90000046  }
0xb4: {  	s29 =	simm.s32 $0x9;
	_ =	strace $0x80000048  }
0xb5: {  	_ =	swait.ge [sflag:s29], $0x1  }
0xb6: {  	[sflag:s29] =	ssyncadd.s32 $0xFFFFFFFF  }
0xb7: {  	_ =	strace $0x90000048  }
0xb8: {  	_ =	sfence  }
0xb9: {  	s30 =	sld [smem:$0x0];
	_ =	sdelay $0x2  }
0xba: {  	s31 =	sshll.u32 s1, $0xD;
	s1 =	sshrl.u32 s1, $0x2  }
0xbb: {  	s3 =	sand.u32 $0x4000, s31;
	s1 =	sadd.s32 s1, s30  }
0xbc: {  	s0 =	sor.u32 s3, s0;
	s1 =	sshll.u32 s1, $0x11  }
0xbd: {  	s0 =	sor.u32 s1, s0  }
0xbe: {  	s0 =	sadd.s32 $0x8F2B, s0  }
0xbf: {  	[sflag:s0] =	ssyncadd.remote.s32 $0x1  }
0xc0: {  	_ =	sfence.sel $0xFFFF  }
0xc1: {  	[dreg:$0x0] =	wrdreg $0xFFFFFFFF;
	(pc) =	sbr.abs _section_cstart, $3  }
0xc2: {  	[dreg:$0x1] =	wrdreg $0xFFFFFFFF  }
0xc3: {  	_ =	task.clear_ibuf [dreg:s8], $0x2FFFF;
	_ =	strace $0x9FFFFFFF  }
0xc4: {  	(tm) =	ssettm $0x7FFFFFFF  }
0xc5: {  	_ =	shalt  }
tec
execute0_lowered:
.L_overlay_start_1:
0x0: {  	(tag) =	ssettag $0x1  }
0x1: {  	s6 =	rddreg [dreg:$0x0]  }
0x2: {  	s2 =	rddreg [dreg:$0x1]  }
0x3: {  	s1 =	srdreg.scid;
	s0 =	stileid.u32  }
0x4: {  	s4 =	rddreg [dreg:$0x2];
	s3 =	simm.s32 $0x0;
	s10 =	simm.s32 $0x6400  }
0x5: {  	s11 =	simm.s32 $0x48;
	s12 =	simm.s32 $0xA400;
	s13 =	simm.s32 $0xC800  }
0x6: {  	s14 =	simm.s32 $0x10800;
	s15 =	simm.s32 $0x1;
	s16 =	simm.s32 $0x12C00  }
0x7: {  	s17 =	simm.s32 $0x2;
	s18 =	simm.s32 $0x19000;
	s19 =	simm.s32 $0x3  }
0x8: {  	s20 =	simm.s32 $0x4;
	s5 =	sand.u32 $0x1, s1;
	s7 =	sshll.u32 s0, $0x1  }
0x9: {  	s21 =	simm.s32 $0x0;
	s1 =	rddreg [dreg:$0x3];
	s7 =	sor.u32 s5, s7  }
0xa: {  	[smem:$0x7FF] =	sst s3;
	s5 =	ssub.s32 $0x2, s5;
	s8 =	smul.u32 $0xC80, s7  }
0xb: {  	s4 =	sadd.s32 $0x400, s4;
	_ =	strace $0x80000047;
	s9 =	sshrl.u32 s5, $0x1  }
0xc: {  	s9 =	ssub.s32 s5, s9;
	s5 =	sshll.u32 s7, $0x7;
	s6 =	sadd.s32 s6, s8  }
0xd: {  	s7 =	smax.u32 s9, $0x1;
	s8 =	simm.s32 $0x5;
	s9 =	simm.s32 $0x80  }
.LBB2_1:
0xe: {  	[tilespmem:s3], [sflag:$0x5] =	stream.linear.gather [hbm4b:s6+s3], $0x6400, $0x38;
	[tilespmem:$0x1F400] =	vst v63  }
0xf: {  	_ =	swait.ge [sflag:s8], $0x6400  }
0x10: {  	[sflag:s8] =	ssyncset.done $0x0  }
0x11: {  	[sflag:s8] =	ssyncadd.s32 $0xFFFF9C00  }
0x12: {  	[tilespmem:s10], [sflag:$0x1] =	stream.indirect.gather [hbm4b:s2+s9], $0x80, s3, s9, $0xb8;
	[tilespmem:$0x1F400] =	vst v63  }
0x13: {  	s22 =	simm.s32 $0x0  }
0x14: {  	[tilespmem:s12], [sflag:$0x1] =	stream.indirect.gather [hbm4b:s2+s11], $0x80, s9, s11, $0xb8;
	[tilespmem:$0x1F400] =	vst v63  }
.LBB2_2:
0x15: {  	s23 =	sshllo.u32 s22, $0x1  }
0x16: {  	s24 =	smul.u32 $0x320, s23;
	_ =	sdelay $0x1  }
0x17: {  	s24 =	sshra.s32 s24, $0x2  }
0x18: {  	[tilespmem:s13], [sflag:$0x2] =	stream.indirect.gather [hbm4b:s2+s9], $0x80, s24, s9, $0xb8;
	[tilespmem:$0x1F400] =	vst v63  }
0x19: {  	s24 =	sadd.s32 $0x80, s24  }
0x1a: {  	[tilespmem:s14], [sflag:$0x2] =	stream.indirect.gather [hbm4b:s2+s11], $0x80, s24, s11, $0xb8;
	[tilespmem:$0x1F400] =	vst v63  }
0x1b: {  	_ =	swait.ge [sflag:s15], $0x4000  }
0x1c: {  	[sflag:s15] =	ssyncset.done $0x0  }
0x1d: {  	[sflag:s15] =	ssyncadd.s32 $0xFFFFC000  }
0x1e: {  	_ =	swait.ge [sflag:s15], $0x2400  }
0x1f: {  	p0 =	seq.s32 s22, $0x0;
	[sflag:s15] =	ssyncset.done $0x0  }
0x20: {  	s24 =	simm.s32 @!p0 $0x3;
	[sflag:s15] =	ssyncadd.s32 $0xFFFFDC00  }
0x21: {  	_ =	swait.ge @!p0 [sflag:s24], $0x6400  }
0x22: {  	[sflag:s24] =	ssyncset.done @!p0 $0x0  }
0x23: {  	[sflag:s24] =	ssyncadd.s32 @!p0 $0xFFFF9C00  }
0x24: {  	v2 =	vld [tilespmem:$0x6400]  }
0x25: {  	v3 =	vld [tilespmem:$0x6410]  }
0x26: {  	v4 =	vld [tilespmem:$0x6420]  }
0x27: {  	v1 =	vld [tilespmem:$0x6430];
	_ =	sdelay $0x1  }
0x28: {  	[tilespmem:$0x12C00] =	vst v2  }
0x29: {  	[tilespmem:$0x12C10] =	vst v3  }
0x2a: {  	[tilespmem:$0x12C20] =	vst v4  }
0x2b: {  	s25 =	simm.s32 $0x0;
	[tilespmem:$0x12C30] =	vst v1  }
0x2c: {  	v0 =	vld [tilespmem:s25+$0x64B0]  }
0x2d: {  	v6 =	vld [tilespmem:s25+$0x6480]  }
0x2e: {  	v8 =	vld [tilespmem:s25+$0x6490]  }
0x2f: {  	v9 =	vld [tilespmem:s25+$0x64A0];
	_ =	sdelay $0x1  }
0x30: {  	s24 =	simm.s32 $0x80;
	v7 =	vmul.f32 $1.000000010e-01, v1;
	v5 =	vmul.f32 $1.100000020e+00, v0  }
0x31: {  	v10 =	vmul.f32 $1.000000010e-01, v2;
	v1 =	vld [tilespmem:s24+$0x64B0];
	v11 =	vmul.f32 $1.100000020e+00, v6  }
0x32: {  	v12 =	vmul.f32 $1.000000010e-01, v3;
	v13 =	vmul.f32 $1.000000010e-01, v4;
	v2 =	vld [tilespmem:s24+$0x6480];
	v3 =	vsub.f32 v5, v7  }
0x33: {  	v14 =	vmul.f32 $1.100000020e+00, v8;
	v7 =	vld [tilespmem:s24+$0x6490];
	v10 =	vsub.f32 v11, v10;
	v11 =	vmul.f32 $1.100000020e+00, v9  }
0x34: {  	v6 =	vmul.f32 $1.000000010e-01, v6;
	v4 =	vmul.f32 $1.000000010e-01, v8;
	v5 =	vld [tilespmem:s24+$0x64A0];
	[tilespmem:s25+$0x12CB0] =	vst v3  }
0x35: {  	s26 =	sshll.u32 s22, $0x1;
	s28 =	simm.s32 $0x400;
	v3 =	vmul.f32 $1.000000010e-01, v9;
	v9 =	vsub.f32 v14, v12;
	[tilespmem:s25+$0x12C80] =	vst v10;
	v8 =	vsub.f32 v11, v13  }
.LBB2_3:
0x36: {  	v10 =	vmul.f32 $1.100000020e+00, v1  }
0x37: {  	s29 =	sshra.s32 s28, $0x2;
	p1 =	sne.s32 s28, $0x18C00;
	s28 =	sadd.s32 $0x200, s28;
	v11 =	vmul.f32 $1.000000010e-01, v0;
	v0 =	vmov v1;
	v12 =	vmul.f32 $1.000000010e-01, v2  }
.Ltmp0:
0x38: {  	v1 =	vld [tilespmem:s29+$0x64B0];
	v13 =	vmul.f32 $1.100000020e+00, v2;
	[tilespmem:s25+$0x12C90] =	vst v9;
	(pc) =	sbr.rel @p1 .LBB2_3-.Ltmp0, $4  }
0x39: {  	v2 =	vld [tilespmem:s29+$0x6480];
	v14 =	vmul.f32 $1.000000010e-01, v7;
	v9 =	vmul.f32 $1.100000020e+00, v7;
	v10 =	vsub.f32 v10, v11;
	[tilespmem:s25+$0x12CA0] =	vst v8;
	s25 =	smov.u32 s24;
	s24 =	smov.u32 s29  }
0x3a: {  	v7 =	vld [tilespmem:s24+$0x6490];
	v11 =	vmul.f32 $1.000000010e-01, v5;
	v8 =	vsub.f32 v13, v6;
	v13 =	vmul.f32 $1.100000020e+00, v5;
	v6 =	vmovc v12  }
0x3b: {  	v5 =	vld [tilespmem:s24+$0x64A0];
	v9 =	vsub.f32 v9, v4;
	[tilespmem:s25+$0x12CB0] =	vst v10;
	v4 =	vmov v14  }
0x3c: {  	[tilespmem:s25+$0x12C80] =	vst v8;
	v8 =	vsub.f32 v13, v3;
	v3 =	vmov v11  }
0x3d: {  	v1 =	vmul.f32 $1.100000020e+00, v1;
	v0 =	vmul.f32 $1.000000010e-01, v0  }
0x3e: {  	v2 =	vmul.f32 $1.100000020e+00, v2  }
0x3f: {  	[tilespmem:s25+$0x12C90] =	vst v9;
	s30 =	sadd.s32 s5, s26;
	v7 =	vmul.f32 $1.100000020e+00, v7;
	v0 =	vsub.f32 v1, v0  }
0x40: {  	[tilespmem:s25+$0x12CA0] =	vst v8;
	s25 =	smul.u32 $0xC80, s30;
	v1 =	vsub.f32 v2, v6;
	v2 =	vmul.f32 $1.100000020e+00, v5  }
0x41: {  	p1 =	seq.s32 s22, $0x3F;
	v4 =	vsub.f32 v7, v4;
	[tilespmem:s24+$0x12CB0] =	vst v0  }
0x42: {  	s31 =	sadd.s32 s4, s25;
	s25 =	smul.u32 @!p1 $0x640, s22;
	[tilespmem:s24+$0x12C80] =	vst v1;
	v0 =	vsub.f32 v2, v3  }
0x43: {  	[tilespmem:s24+$0x12C90] =	vst v4  }
0x44: {  	[tilespmem:s24+$0x12CA0] =	vst v0;
	s24 =	sshra.s32 @!p1 s25, $0x2  }
0x45: {  	[hbm4b:s31+s3] =	stream.linear.scatter [tilespmem:s16], [sflag:$0x3], $0x6400, $0x38;
	[tilespmem:$0x1F400] =	vst v63  }
0x46: {  	s26 =	simm.s32 @!p1 $0x80;
	s28 =	simm.s32 @!p1 $0x6400;
	s25 =	sadd.s32 @!p1 $0x190, s24  }
0x47: {  	[tilespmem:s28], [sflag:$0x1] =	stream.indirect.gather @!p1 [hbm4b:s2+s26], $0x80, s25, s26, $0xb8;
	[tilespmem:$0x1F400] =	vst v63  }
0x48: {  	s24 =	sadd.s32 @!p1 $0x210, s24;
	s25 =	simm.s32 @!p1 $0x48;
	s26 =	simm.s32 @!p1 $0xA400  }
0x49: {  	[tilespmem:s26], [sflag:$0x1] =	stream.indirect.gather @!p1 [hbm4b:s2+s25], $0x80, s24, s25, $0xb8;
	[tilespmem:$0x1F400] =	vst v63  }
0x4a: {  	_ =	swait.ge [sflag:s17], $0x4000  }
0x4b: {  	[sflag:s17] =	ssyncset.done $0x0  }
0x4c: {  	[sflag:s17] =	ssyncadd.s32 $0xFFFFC000  }
0x4d: {  	_ =	swait.ge [sflag:s17], $0x2400  }
0x4e: {  	[sflag:s17] =	ssyncset.done $0x0  }
0x4f: {  	s24 =	simm.s32 @!p0 $0x4;
	[sflag:s17] =	ssyncadd.s32 $0xFFFFDC00  }
0x50: {  	_ =	swait.ge @!p0 [sflag:s24], $0x6400  }
0x51: {  	[sflag:s24] =	ssyncset.done @!p0 $0x0  }
0x52: {  	[sflag:s24] =	ssyncadd.s32 @!p0 $0xFFFF9C00  }
0x53: {  	v2 =	vld [tilespmem:$0xC800]  }
0x54: {  	v4 =	vld [tilespmem:$0xC810]  }
0x55: {  	v5 =	vld [tilespmem:$0xC820]  }
0x56: {  	v1 =	vld [tilespmem:$0xC830];
	_ =	sdelay $0x1  }
0x57: {  	[tilespmem:$0x19000] =	vst v2  }
0x58: {  	[tilespmem:$0x19010] =	vst v4  }
0x59: {  	[tilespmem:$0x19020] =	vst v5  }
0x5a: {  	s25 =	simm.s32 $0x0;
	[tilespmem:$0x19030] =	vst v1  }
0x5b: {  	v0 =	vld [tilespmem:s25+$0xC8B0]  }
0x5c: {  	v6 =	vld [tilespmem:s25+$0xC880]  }
0x5d: {  	v8 =	vld [tilespmem:s25+$0xC890]  }
0x5e: {  	v9 =	vld [tilespmem:s25+$0xC8A0];
	_ =	sdelay $0x1  }
0x5f: {  	s24 =	simm.s32 $0x80;
	v10 =	vmul.f32 $1.000000010e-01, v1;
	v7 =	vmul.f32 $1.100000020e+00, v0  }
0x60: {  	v2 =	vmul.f32 $1.000000010e-01, v2;
	v1 =	vld [tilespmem:s24+$0xC8B0];
	v11 =	vmul.f32 $1.100000020e+00, v6  }
0x61: {  	v12 =	vmul.f32 $1.000000010e-01, v4;
	v13 =	vmul.f32 $1.000000010e-01, v5;
	v3 =	vld [tilespmem:s24+$0xC880];
	v10 =	vsub.f32 v7, v10  }
0x62: {  	v5 =	vld [tilespmem:s24+$0xC8A0];
	v14 =	vmul.f32 $1.100000020e+00, v8;
	v15 =	vmul.f32 $1.100000020e+00, v9;
	v11 =	vsub.f32 v11, v2  }
0x63: {  	v6 =	vmul.f32 $1.000000010e-01, v6;
	v4 =	vmul.f32 $1.000000010e-01, v8;
	v7 =	vld [tilespmem:s24+$0xC890];
	[tilespmem:s25+$0x190B0] =	vst v10  }
0x64: {  	s26 =	simm.s32 $0x400;
	v2 =	vmul.f32 $1.000000010e-01, v9;
	v9 =	vsub.f32 v14, v12;
	v8 =	vsub.f32 v15, v13;
	[tilespmem:s25+$0x19080] =	vst v11  }
.LBB2_5:
0x65: {  	v10 =	vmul.f32 $1.100000020e+00, v1  }
0x66: {  	s28 =	sshra.s32 s26, $0x2;
	p0 =	sne.s32 s26, $0x18C00;
	s26 =	sadd.s32 $0x200, s26;
	v11 =	vmul.f32 $1.000000010e-01, v0;
	v0 =	vmov v1;
	v12 =	vmul.f32 $1.000000010e-01, v3  }
.Ltmp1:
0x67: {  	v1 =	vld [tilespmem:s28+$0xC8B0];
	v13 =	vmul.f32 $1.100000020e+00, v3;
	[tilespmem:s25+$0x19090] =	vst v9;
	(pc) =	sbr.rel @p0 .LBB2_5-.Ltmp1, $4  }
0x68: {  	v3 =	vld [tilespmem:s28+$0xC880];
	v14 =	vmul.f32 $1.000000010e-01, v7;
	v9 =	vmul.f32 $1.100000020e+00, v7;
	v10 =	vsub.f32 v10, v11;
	[tilespmem:s25+$0x190A0] =	vst v8;
	s25 =	smov.u32 s24;
	s24 =	smov.u32 s28  }
0x69: {  	v7 =	vld [tilespmem:s24+$0xC890];
	v11 =	vmul.f32 $1.000000010e-01, v5;
	v8 =	vsub.f32 v13, v6;
	v13 =	vmul.f32 $1.100000020e+00, v5;
	v6 =	vmovc v12  }
0x6a: {  	v5 =	vld [tilespmem:s24+$0xC8A0];
	v9 =	vsub.f32 v9, v4;
	[tilespmem:s25+$0x190B0] =	vst v10;
	v4 =	vmov v14  }
0x6b: {  	[tilespmem:s25+$0x19080] =	vst v8;
	v8 =	vsub.f32 v13, v2;
	v2 =	vmov v11  }
0x6c: {  	v1 =	vmul.f32 $1.100000020e+00, v1;
	v0 =	vmul.f32 $1.000000010e-01, v0  }
0x6d: {  	v3 =	vmul.f32 $1.100000020e+00, v3  }
0x6e: {  	[tilespmem:s25+$0x19090] =	vst v9;
	s22 =	sadd.s32 $0x1, s22;
	v7 =	vmul.f32 $1.100000020e+00, v7;
	v0 =	vsub.f32 v1, v0  }
0x6f: {  	[tilespmem:s25+$0x190A0] =	vst v8;
	p0 =	sne.s32 s22, $0x40;
	v61 =	vsub.f32 v3, v6;
	v62 =	vmul.f32 $1.100000020e+00, v5  }
.Ltmp2:
0x70: {  	s23 =	sadd.s32 s5, s23;
	v4 =	vsub.f32 v7, v4;
	[tilespmem:s24+$0x190B0] =	vst v0;
	(pc) =	sbr.rel @p0 .LBB2_2-.Ltmp2, $4  }
0x71: {  	s23 =	smul.u32 $0xC80, s23;
	[tilespmem:s24+$0x19080] =	vst v61;
	v63 =	vsub.f32 v62, v2  }
0x72: {  	[tilespmem:s24+$0x19090] =	vst v4  }
0x73: {  	s23 =	sadd.s32 s4, s23;
	[tilespmem:s24+$0x190A0] =	vst v63  }
0x74: {  	[hbm4b:s23+s3] =	stream.linear.scatter [tilespmem:s18], [sflag:$0x4], $0x6400, $0x38;
	[tilespmem:$0x1F400] =	vst v63  }
0x75: {  	s21 =	sadd.s32 $0x1, s21  }
0x76: {  	_ =	swait.ge [sflag:s19], $0x6400;
	p0 =	sne.s32 s21, s7  }
.Ltmp3:
0x77: {  	[sflag:s19] =	ssyncset.done $0x0;
	(pc) =	sbr.rel @p0 .LBB2_1-.Ltmp3, $4  }
0x78: {  	[sflag:s19] =	ssyncadd.s32 $0xFFFF9C00  }
0x79: {  	_ =	swait.ge [sflag:s20], $0x6400  }
0x7a: {  	[sflag:s20] =	ssyncset.done $0x0  }
0x7b: {  	[sflag:s20] =	ssyncadd.s32 $0xFFFF9C00  }
0x7c: {  	_ =	sfence.sel $0x180000  }
0x7d: {  	[bflag:$0x0] =	sbarrier.arrive $0xFFFF  }
0x7e: {  	p0 =	sne.s32 s0, $0x0;
	_ =	strace $0x90000047  }
0x7f: {  	s0 =	sadd.s32 @!p0 $0x100000, s1;
	[bflag:$0x2] =	sbarrier.arrive $0xFFFF  }
0x80: {  	[sflag:s0] =	ssyncadd.tile.s32 @!p0 $0x1;
	_ =	shalt  }
.Lfunc_end2:
_tile_overlayer_lowered:
.L_overlay_start_2:
0x81: {  	(tag) =	ssettag $0x2  }
0x82: {  	s0 =	rddreg [dreg:$0x0];
	s2 =	stileid.u32  }
0x83: {  	s1 =	rddreg [dreg:$0x1];
	p0 =	sne.s32 s2, $0x0  }
0x84: {  	s3 =	rddreg [dreg:$0x2];
	[bflag:$0x3] =	sbarrier.arrive $0xFFFF;
	s2 =	simm.s32 @!p0 $0x1C05  }
0x85: {  	[timem:s3], [sflag:s2] =	dma.local @!p0 [hbm:s0], s1  }
0x86: {  	s0 =	simm.s32 @!p0 $0x5  }
0x87: {  	_ =	swait.ge @!p0 [sflag:s0], s1  }
0x88: {  	s1 =	ssub.s32 @!p0 $0x0, s1;
	[sflag:s0] =	ssyncset.done @!p0 $0x0  }
0x89: {  	[sflag:s0] =	ssyncadd.s32 @!p0 s1  }
0x8a: {  	[bflag:$0x3] =	sbarrier.arrive $0xFFFF  }
0x8b: {  	_ =	shalt  }

</sc_bundles>
